<compile_context>
chip_gen: v7x
topology: tpu7x:2x2x1
jax: 0.10.2.dev20260603
libtpu: 0.0.44.dev20260713+nightly
codegen_flags: <defaults>
</compile_context>

<pallas_src>
import functools
import jax
import jax.numpy as jnp
from jax import lax
from jax.experimental import pallas as pl
from jax.experimental.pallas import tpu as pltpu
from jax.experimental.pallas import tpu_sc as plsc

B = 16384
H = 64

_info = plsc.get_sparse_core_info()
NC = _info.num_cores
NS = _info.num_subcores
L = _info.num_lanes
NW = NC * NS
RPW = B // NW
IC = 128
NIC = RPW // IC

_mesh = plsc.VectorSubcoreMesh(core_axis_name="c", subcore_axis_name="s")


@functools.partial(
    pl.kernel,
    mesh=_mesh,
    out_type=jax.ShapeDtypeStruct((B,), jnp.float32),
    compiler_params=pltpu.CompilerParams(needs_layout_passes=False,
                                         use_tc_tiling_on_sc=True),
    scratch_types=[
        pltpu.VMEM((NIC, IC), jnp.int32),
        pltpu.VMEM((NIC, IC), jnp.int32),
        pltpu.VMEM((RPW,), jnp.float32),
        pltpu.VMEM((RPW,), jnp.float32),
        pltpu.VMEM((RPW,), jnp.float32),
        pltpu.SemaphoreType.DMA,
    ],
)
def _bias_kernel(uid_hbm, iid_hbm, bu_hbm, bi_hbm, out_hbm,
                 uidx_v, iidx_v, ub_v, ib_v, out_v, sem_g):
    wid = lax.axis_index("s") * NC + lax.axis_index("c")
    col0 = wid * RPW
    ic0 = wid * NIC

    pltpu.sync_copy(uid_hbm.at[pl.ds(ic0, NIC)], uidx_v)
    pltpu.sync_copy(iid_hbm.at[pl.ds(ic0, NIC)], iidx_v)

    gathers = []
    for j in range(NIC):
        gathers.append(
            pltpu.async_copy(bu_hbm.at[uidx_v.at[j]],
                             ub_v.at[pl.ds(j * IC, IC)], sem_g))
        gathers.append(
            pltpu.async_copy(bi_hbm.at[iidx_v.at[j]],
                             ib_v.at[pl.ds(j * IC, IC)], sem_g))
    for g in gathers:
        g.wait()

    def addbody(c, carry):
        o = pl.ds(pl.multiple_of(c * L, L), L)
        out_v[o] = ub_v[o] + ib_v[o]
        return carry

    lax.fori_loop(0, RPW // L, addbody, 0)

    pltpu.sync_copy(out_v, out_hbm.at[pl.ds(col0, RPW)])


_TCB = 16384


def _dots_body(uf_ref, if_ref, w_ref, b_ref, out_ref):
    prod = uf_ref[...] * if_ref[...] * w_ref[...]
    out_ref[...] = jnp.sum(prod, axis=0) + b_ref[0, 0]


_dots_kernel = pl.pallas_call(
    _dots_body,
    grid=(B // _TCB,),
    in_specs=[
        pl.BlockSpec((H, _TCB), lambda j: (0, j)),
        pl.BlockSpec((H, _TCB), lambda j: (0, j)),
        pl.BlockSpec((H, 1), lambda j: (0, 0)),
        pl.BlockSpec((1, 1), lambda j: (0, 0)),
    ],
    out_specs=pl.BlockSpec((_TCB,), lambda j: (j,)),
    out_shape=jax.ShapeDtypeStruct((B,), jnp.float32),
)


def kernel(user_feature, user_id, item_feature, item_id, W, b, b_user, b_item):
    uft = user_feature.T
    ift = item_feature.T
    uid = user_id.reshape(B // IC, IC)
    iid = item_id.reshape(B // IC, IC)
    scb = _bias_kernel(uid, iid, b_user, b_item)
    dots = _dots_kernel(uft, ift, W, b.reshape(1, 1))
    return (dots + scb).reshape(B, 1)

# --- scband reference (transcript-rebuilt; emitter-appended) ---
"""Pipeline reference for scband-latent-factor-46763603919312 (READ-ONLY COPY).

The authoritative reference and input builder live on the scoring server;
editing this copy changes nothing except your own understanding.
"""

import jax, jax.numpy as jnp
import numpy as np

B = 16384
H = 64
U = 1000000
I = 1000000

def setup_inputs(seed: int = 0) -> dict:
    key = jax.random.key(seed)
    k1, k2, k3, k4, k5, k6, k7, k8 = jax.random.split(key, 8)
    return {
        "user_feature": jax.random.normal(k1, (B, H), dtype=jnp.float32),
        "user_id": jax.random.randint(k2, (B, 1), 0, U, dtype=jnp.int32),
        "item_feature": jax.random.normal(k3, (B, H), dtype=jnp.float32),
        "item_id": jax.random.randint(k4, (B, 1), 0, I, dtype=jnp.int32),
        # learned parameters
        "W": jax.random.normal(k5, (H, 1), dtype=jnp.float32) / np.sqrt(H),
        "b": jnp.zeros((1,), dtype=jnp.float32),
        "b_user": jax.random.normal(k6, (U,), dtype=jnp.float32),
        "b_item": jax.random.normal(k7, (I,), dtype=jnp.float32),
    }

def reference(user_feature, user_id, item_feature, item_id, W, b, b_user, b_item):
    # dot = user_feature * item_feature
    dot = user_feature * item_feature
    # linear(dot): [B, H] @ [H, 1] + [1] -> [B, 1]
    lin = dot @ W + b
    # bias table gathers: user_id/item_id are [B, 1] -> gathered [B, 1]
    ub = jnp.take(b_user, user_id.reshape(-1, 1), axis=0).reshape(-1, 1)
    ib = jnp.take(b_item, item_id.reshape(-1, 1), axis=0).reshape(-1, 1)
    predict = lin + ub + ib
    return predict

if __name__ == "__main__":
    import jax
    _d = setup_inputs()
    print(jax.jit(kernel)(*tuple(_d.values())))

</pallas_src>

<mosaic_0001>
#map = affine_map<(d0, d1) -> (0, 0)>
#map1 = affine_map<(d0, d1) -> (0)>
module attributes {stable_mosaic.version = 14 : i64} {
  func.func @_bias_kernel(%arg0: i32, %arg1: i32, %arg2: memref<128x128xi32, #tpu.memory_space<hbm>>, %arg3: memref<128x128xi32, #tpu.memory_space<hbm>>, %arg4: memref<1000000xf32, #tpu.memory_space<hbm>>, %arg5: memref<1000000xf32, #tpu.memory_space<hbm>>, %arg6: memref<16384xf32, #tpu.memory_space<hbm>>, %arg7: memref<4x128xi32, #tpu.memory_space<vmem>>, %arg8: memref<4x128xi32, #tpu.memory_space<vmem>>, %arg9: memref<512xf32, #tpu.memory_space<vmem>>, %arg10: memref<512xf32, #tpu.memory_space<vmem>>, %arg11: memref<512xf32, #tpu.memory_space<vmem>>, %arg12: memref<!tpu.dma_semaphore, #tpu.memory_space<semaphore_mem>>) attributes {dimension_semantics = [#tpu.dimension_semantics<core_parallel>, #tpu.dimension_semantics<subcore_parallel>], iteration_bounds = array<i64: 2, 16>, scalar_prefetch = 0 : i64, scratch_operands = 6 : i64, tpu.core_type = #tpu.core_type<sc_vector_subcore>, window_params = [{transform_indices = #map}, {transform_indices = #map}, {transform_indices = #map1}, {transform_indices = #map1}, {transform_indices = #map1}]} {
    %mul3A = arith.constant 2 : i32
    %mul3A_0 = arith.muli %arg1, %mul3A : i32
    %add3A = arith.addi %mul3A_0, %arg0 : i32
    %mul3A_1 = arith.constant 512 : i32
    %mul3A_2 = arith.muli %add3A, %mul3A_1 : i32
    %mul3A_3 = arith.constant 4 : i32
    %mul3A_4 = arith.muli %add3A, %mul3A_3 : i32
    "tpu.region"() ({
      %run_scoped3A = tpu.sem_alloc : memref<!tpu.dma_semaphore, #tpu.memory_space<semaphore_mem>>
      %dma_start3A_136 = arith.constant 0 : i32
      %dma_start3A_137 = tpu.memref_slice %arg2[%mul3A_4, %dma_start3A_136] : memref<128x128xi32, #tpu.memory_space<hbm>> -> memref<4x128xi32, #tpu.memory_space<hbm>>
      %dma_start3A_138 = arith.constant 0 : i32
      %dma_start3A_139 = tpu.memref_slice %arg2[%mul3A_4, %dma_start3A_138] : memref<128x128xi32, #tpu.memory_space<hbm>> -> memref<4x128xi32, #tpu.memory_space<hbm>>
      tpu.enqueue_dma source(%dma_start3A_139 : memref<4x128xi32, #tpu.memory_space<hbm>>) target(%arg7 : memref<4x128xi32, #tpu.memory_space<vmem>>) target_semaphore(%run_scoped3A : memref<!tpu.dma_semaphore, #tpu.memory_space<semaphore_mem>>)
      %dma_wait3A_140 = arith.constant 0 : i32
      %dma_wait3A_141 = tpu.memref_slice %arg2[%mul3A_4, %dma_wait3A_140] : memref<128x128xi32, #tpu.memory_space<hbm>> -> memref<4x128xi32, #tpu.memory_space<hbm>>
      %dma_wait3A_142 = arith.constant 0 : i32
      %dma_wait3A_143 = tpu.memref_slice %arg2[%mul3A_4, %dma_wait3A_142] : memref<128x128xi32, #tpu.memory_space<hbm>> -> memref<4x128xi32, #tpu.memory_space<hbm>>
      tpu.wait_dma2 semaphore(%run_scoped3A : memref<!tpu.dma_semaphore, #tpu.memory_space<semaphore_mem>>) src(%dma_wait3A_143 : memref<4x128xi32, #tpu.memory_space<hbm>>) dst(%arg7 : memref<4x128xi32, #tpu.memory_space<vmem>>)
      tpu.yield
    }) : () -> ()
    "tpu.region"() ({
      %run_scoped3A = tpu.sem_alloc : memref<!tpu.dma_semaphore, #tpu.memory_space<semaphore_mem>>
      %dma_start3A_136 = arith.constant 0 : i32
      %dma_start3A_137 = tpu.memref_slice %arg3[%mul3A_4, %dma_start3A_136] : memref<128x128xi32, #tpu.memory_space<hbm>> -> memref<4x128xi32, #tpu.memory_space<hbm>>
      %dma_start3A_138 = arith.constant 0 : i32
      %dma_start3A_139 = tpu.memref_slice %arg3[%mul3A_4, %dma_start3A_138] : memref<128x128xi32, #tpu.memory_space<hbm>> -> memref<4x128xi32, #tpu.memory_space<hbm>>
      tpu.enqueue_dma source(%dma_start3A_139 : memref<4x128xi32, #tpu.memory_space<hbm>>) target(%arg8 : memref<4x128xi32, #tpu.memory_space<vmem>>) target_semaphore(%run_scoped3A : memref<!tpu.dma_semaphore, #tpu.memory_space<semaphore_mem>>)
      %dma_wait3A_140 = arith.constant 0 : i32
      %dma_wait3A_141 = tpu.memref_slice %arg3[%mul3A_4, %dma_wait3A_140] : memref<128x128xi32, #tpu.memory_space<hbm>> -> memref<4x128xi32, #tpu.memory_space<hbm>>
      %dma_wait3A_142 = arith.constant 0 : i32
      %dma_wait3A_143 = tpu.memref_slice %arg3[%mul3A_4, %dma_wait3A_142] : memref<128x128xi32, #tpu.memory_space<hbm>> -> memref<4x128xi32, #tpu.memory_space<hbm>>
      tpu.wait_dma2 semaphore(%run_scoped3A : memref<!tpu.dma_semaphore, #tpu.memory_space<semaphore_mem>>) src(%dma_wait3A_143 : memref<4x128xi32, #tpu.memory_space<hbm>>) dst(%arg8 : memref<4x128xi32, #tpu.memory_space<vmem>>)
      tpu.yield
    }) : () -> ()
    %dma_start3A = arith.constant 0 : i32
    %dma_start3A_5 = arith.constant 0 : i32
    %dma_start3A_6 = tpu.memref_slice %arg9[%dma_start3A_5] : memref<512xf32, #tpu.memory_space<vmem>> -> memref<128xf32, #tpu.memory_space<vmem>>
    %dma_start3A_7 = arith.constant 0 : i32
    %dma_start3A_8 = tpu.memref_slice %arg7[%dma_start3A, %dma_start3A_7] : memref<4x128xi32, #tpu.memory_space<vmem>> -> memref<1x128xi32, #tpu.memory_space<vmem>>
    %dma_start3A_9 = tpu.memref_squeeze %dma_start3A_8 : memref<1x128xi32, #tpu.memory_space<vmem>> -> memref<128xi32, #tpu.memory_space<vmem>>
    %dma_start3A_10 = arith.constant 0 : i32
    %dma_start3A_11 = tpu.memref_slice %arg4[%dma_start3A_10] : memref<1000000xf32, #tpu.memory_space<hbm>> -> memref<1000000xf32, #tpu.memory_space<hbm>>
    tpu.enqueue_indirect_dma source(%dma_start3A_11 : memref<1000000xf32, #tpu.memory_space<hbm>>) target(%dma_start3A_6 : memref<128xf32, #tpu.memory_space<vmem>>) offsets(%dma_start3A_9 : memref<128xi32, #tpu.memory_space<vmem>>) semaphore(%arg12 : memref<!tpu.dma_semaphore, #tpu.memory_space<semaphore_mem>>)
    %dma_start3A_12 = arith.constant 0 : i32
    %dma_start3A_13 = arith.constant 0 : i32
    %dma_start3A_14 = tpu.memref_slice %arg10[%dma_start3A_13] : memref<512xf32, #tpu.memory_space<vmem>> -> memref<128xf32, #tpu.memory_space<vmem>>
    %dma_start3A_15 = arith.constant 0 : i32
    %dma_start3A_16 = tpu.memref_slice %arg8[%dma_start3A_12, %dma_start3A_15] : memref<4x128xi32, #tpu.memory_space<vmem>> -> memref<1x128xi32, #tpu.memory_space<vmem>>
    %dma_start3A_17 = tpu.memref_squeeze %dma_start3A_16 : memref<1x128xi32, #tpu.memory_space<vmem>> -> memref<128xi32, #tpu.memory_space<vmem>>
    %dma_start3A_18 = arith.constant 0 : i32
    %dma_start3A_19 = tpu.memref_slice %arg5[%dma_start3A_18] : memref<1000000xf32, #tpu.memory_space<hbm>> -> memref<1000000xf32, #tpu.memory_space<hbm>>
    tpu.enqueue_indirect_dma source(%dma_start3A_19 : memref<1000000xf32, #tpu.memory_space<hbm>>) target(%dma_start3A_14 : memref<128xf32, #tpu.memory_space<vmem>>) offsets(%dma_start3A_17 : memref<128xi32, #tpu.memory_space<vmem>>) semaphore(%arg12 : memref<!tpu.dma_semaphore, #tpu.memory_space<semaphore_mem>>)
    %dma_start3A_20 = arith.constant 1 : i32
    %dma_start3A_21 = arith.constant 128 : i32
    %dma_start3A_22 = tpu.memref_slice %arg9[%dma_start3A_21] : memref<512xf32, #tpu.memory_space<vmem>> -> memref<128xf32, #tpu.memory_space<vmem>>
    %dma_start3A_23 = arith.constant 0 : i32
    %dma_start3A_24 = tpu.memref_slice %arg7[%dma_start3A_20, %dma_start3A_23] : memref<4x128xi32, #tpu.memory_space<vmem>> -> memref<1x128xi32, #tpu.memory_space<vmem>>
    %dma_start3A_25 = tpu.memref_squeeze %dma_start3A_24 : memref<1x128xi32, #tpu.memory_space<vmem>> -> memref<128xi32, #tpu.memory_space<vmem>>
    %dma_start3A_26 = arith.constant 0 : i32
    %dma_start3A_27 = tpu.memref_slice %arg4[%dma_start3A_26] : memref<1000000xf32, #tpu.memory_space<hbm>> -> memref<1000000xf32, #tpu.memory_space<hbm>>
    tpu.enqueue_indirect_dma source(%dma_start3A_27 : memref<1000000xf32, #tpu.memory_space<hbm>>) target(%dma_start3A_22 : memref<128xf32, #tpu.memory_space<vmem>>) offsets(%dma_start3A_25 : memref<128xi32, #tpu.memory_space<vmem>>) semaphore(%arg12 : memref<!tpu.dma_semaphore, #tpu.memory_space<semaphore_mem>>)
    %dma_start3A_28 = arith.constant 1 : i32
    %dma_start3A_29 = arith.constant 128 : i32
    %dma_start3A_30 = tpu.memref_slice %arg10[%dma_start3A_29] : memref<512xf32, #tpu.memory_space<vmem>> -> memref<128xf32, #tpu.memory_space<vmem>>
    %dma_start3A_31 = arith.constant 0 : i32
    %dma_start3A_32 = tpu.memref_slice %arg8[%dma_start3A_28, %dma_start3A_31] : memref<4x128xi32, #tpu.memory_space<vmem>> -> memref<1x128xi32, #tpu.memory_space<vmem>>
    %dma_start3A_33 = tpu.memref_squeeze %dma_start3A_32 : memref<1x128xi32, #tpu.memory_space<vmem>> -> memref<128xi32, #tpu.memory_space<vmem>>
    %dma_start3A_34 = arith.constant 0 : i32
    %dma_start3A_35 = tpu.memref_slice %arg5[%dma_start3A_34] : memref<1000000xf32, #tpu.memory_space<hbm>> -> memref<1000000xf32, #tpu.memory_space<hbm>>
    tpu.enqueue_indirect_dma source(%dma_start3A_35 : memref<1000000xf32, #tpu.memory_space<hbm>>) target(%dma_start3A_30 : memref<128xf32, #tpu.memory_space<vmem>>) offsets(%dma_start3A_33 : memref<128xi32, #tpu.memory_space<vmem>>) semaphore(%arg12 : memref<!tpu.dma_semaphore, #tpu.memory_space<semaphore_mem>>)
    %dma_start3A_36 = arith.constant 2 : i32
    %dma_start3A_37 = arith.constant 256 : i32
    %dma_start3A_38 = tpu.memref_slice %arg9[%dma_start3A_37] : memref<512xf32, #tpu.memory_space<vmem>> -> memref<128xf32, #tpu.memory_space<vmem>>
    %dma_start3A_39 = arith.constant 0 : i32
    %dma_start3A_40 = tpu.memref_slice %arg7[%dma_start3A_36, %dma_start3A_39] : memref<4x128xi32, #tpu.memory_space<vmem>> -> memref<1x128xi32, #tpu.memory_space<vmem>>
    %dma_start3A_41 = tpu.memref_squeeze %dma_start3A_40 : memref<1x128xi32, #tpu.memory_space<vmem>> -> memref<128xi32, #tpu.memory_space<vmem>>
    %dma_start3A_42 = arith.constant 0 : i32
    %dma_start3A_43 = tpu.memref_slice %arg4[%dma_start3A_42] : memref<1000000xf32, #tpu.memory_space<hbm>> -> memref<1000000xf32, #tpu.memory_space<hbm>>
    tpu.enqueue_indirect_dma source(%dma_start3A_43 : memref<1000000xf32, #tpu.memory_space<hbm>>) target(%dma_start3A_38 : memref<128xf32, #tpu.memory_space<vmem>>) offsets(%dma_start3A_41 : memref<128xi32, #tpu.memory_space<vmem>>) semaphore(%arg12 : memref<!tpu.dma_semaphore, #tpu.memory_space<semaphore_mem>>)
    %dma_start3A_44 = arith.constant 2 : i32
    %dma_start3A_45 = arith.constant 256 : i32
    %dma_start3A_46 = tpu.memref_slice %arg10[%dma_start3A_45] : memref<512xf32, #tpu.memory_space<vmem>> -> memref<128xf32, #tpu.memory_space<vmem>>
    %dma_start3A_47 = arith.constant 0 : i32
    %dma_start3A_48 = tpu.memref_slice %arg8[%dma_start3A_44, %dma_start3A_47] : memref<4x128xi32, #tpu.memory_space<vmem>> -> memref<1x128xi32, #tpu.memory_space<vmem>>
    %dma_start3A_49 = tpu.memref_squeeze %dma_start3A_48 : memref<1x128xi32, #tpu.memory_space<vmem>> -> memref<128xi32, #tpu.memory_space<vmem>>
    %dma_start3A_50 = arith.constant 0 : i32
    %dma_start3A_51 = tpu.memref_slice %arg5[%dma_start3A_50] : memref<1000000xf32, #tpu.memory_space<hbm>> -> memref<1000000xf32, #tpu.memory_space<hbm>>
    tpu.enqueue_indirect_dma source(%dma_start3A_51 : memref<1000000xf32, #tpu.memory_space<hbm>>) target(%dma_start3A_46 : memref<128xf32, #tpu.memory_space<vmem>>) offsets(%dma_start3A_49 : memref<128xi32, #tpu.memory_space<vmem>>) semaphore(%arg12 : memref<!tpu.dma_semaphore, #tpu.memory_space<semaphore_mem>>)
    %dma_start3A_52 = arith.constant 3 : i32
    %dma_start3A_53 = arith.constant 384 : i32
    %dma_start3A_54 = tpu.memref_slice %arg9[%dma_start3A_53] : memref<512xf32, #tpu.memory_space<vmem>> -> memref<128xf32, #tpu.memory_space<vmem>>
    %dma_start3A_55 = arith.constant 0 : i32
    %dma_start3A_56 = tpu.memref_slice %arg7[%dma_start3A_52, %dma_start3A_55] : memref<4x128xi32, #tpu.memory_space<vmem>> -> memref<1x128xi32, #tpu.memory_space<vmem>>
    %dma_start3A_57 = tpu.memref_squeeze %dma_start3A_56 : memref<1x128xi32, #tpu.memory_space<vmem>> -> memref<128xi32, #tpu.memory_space<vmem>>
    %dma_start3A_58 = arith.constant 0 : i32
    %dma_start3A_59 = tpu.memref_slice %arg4[%dma_start3A_58] : memref<1000000xf32, #tpu.memory_space<hbm>> -> memref<1000000xf32, #tpu.memory_space<hbm>>
    tpu.enqueue_indirect_dma source(%dma_start3A_59 : memref<1000000xf32, #tpu.memory_space<hbm>>) target(%dma_start3A_54 : memref<128xf32, #tpu.memory_space<vmem>>) offsets(%dma_start3A_57 : memref<128xi32, #tpu.memory_space<vmem>>) semaphore(%arg12 : memref<!tpu.dma_semaphore, #tpu.memory_space<semaphore_mem>>)
    %dma_start3A_60 = arith.constant 3 : i32
    %dma_start3A_61 = arith.constant 384 : i32
    %dma_start3A_62 = tpu.memref_slice %arg10[%dma_start3A_61] : memref<512xf32, #tpu.memory_space<vmem>> -> memref<128xf32, #tpu.memory_space<vmem>>
    %dma_start3A_63 = arith.constant 0 : i32
    %dma_start3A_64 = tpu.memref_slice %arg8[%dma_start3A_60, %dma_start3A_63] : memref<4x128xi32, #tpu.memory_space<vmem>> -> memref<1x128xi32, #tpu.memory_space<vmem>>
    %dma_start3A_65 = tpu.memref_squeeze %dma_start3A_64 : memref<1x128xi32, #tpu.memory_space<vmem>> -> memref<128xi32, #tpu.memory_space<vmem>>
    %dma_start3A_66 = arith.constant 0 : i32
    %dma_start3A_67 = tpu.memref_slice %arg5[%dma_start3A_66] : memref<1000000xf32, #tpu.memory_space<hbm>> -> memref<1000000xf32, #tpu.memory_space<hbm>>
    tpu.enqueue_indirect_dma source(%dma_start3A_67 : memref<1000000xf32, #tpu.memory_space<hbm>>) target(%dma_start3A_62 : memref<128xf32, #tpu.memory_space<vmem>>) offsets(%dma_start3A_65 : memref<128xi32, #tpu.memory_space<vmem>>) semaphore(%arg12 : memref<!tpu.dma_semaphore, #tpu.memory_space<semaphore_mem>>)
    %dma_wait3A = arith.constant 0 : i32
    %dma_wait3A_68 = arith.constant 0 : i32
    %dma_wait3A_69 = tpu.memref_slice %arg9[%dma_wait3A_68] : memref<512xf32, #tpu.memory_space<vmem>> -> memref<128xf32, #tpu.memory_space<vmem>>
    %dma_wait3A_70 = arith.constant 0 : i32
    %dma_wait3A_71 = tpu.memref_slice %arg7[%dma_wait3A, %dma_wait3A_70] : memref<4x128xi32, #tpu.memory_space<vmem>> -> memref<1x128xi32, #tpu.memory_space<vmem>>
    %dma_wait3A_72 = tpu.memref_squeeze %dma_wait3A_71 : memref<1x128xi32, #tpu.memory_space<vmem>> -> memref<128xi32, #tpu.memory_space<vmem>>
    %dma_wait3A_73 = arith.constant 0 : i32
    %dma_wait3A_74 = tpu.memref_slice %arg4[%dma_wait3A_73] : memref<1000000xf32, #tpu.memory_space<hbm>> -> memref<1000000xf32, #tpu.memory_space<hbm>>
    tpu.wait_indirect_dma semaphore(%arg12 : memref<!tpu.dma_semaphore, #tpu.memory_space<semaphore_mem>>) src(%dma_wait3A_74 : memref<1000000xf32, #tpu.memory_space<hbm>>) dst(%dma_wait3A_69 : memref<128xf32, #tpu.memory_space<vmem>>)
    %dma_wait3A_75 = arith.constant 0 : i32
    %dma_wait3A_76 = arith.constant 0 : i32
    %dma_wait3A_77 = tpu.memref_slice %arg10[%dma_wait3A_76] : memref<512xf32, #tpu.memory_space<vmem>> -> memref<128xf32, #tpu.memory_space<vmem>>
    %dma_wait3A_78 = arith.constant 0 : i32
    %dma_wait3A_79 = tpu.memref_slice %arg8[%dma_wait3A_75, %dma_wait3A_78] : memref<4x128xi32, #tpu.memory_space<vmem>> -> memref<1x128xi32, #tpu.memory_space<vmem>>
    %dma_wait3A_80 = tpu.memref_squeeze %dma_wait3A_79 : memref<1x128xi32, #tpu.memory_space<vmem>> -> memref<128xi32, #tpu.memory_space<vmem>>
    %dma_wait3A_81 = arith.constant 0 : i32
    %dma_wait3A_82 = tpu.memref_slice %arg5[%dma_wait3A_81] : memref<1000000xf32, #tpu.memory_space<hbm>> -> memref<1000000xf32, #tpu.memory_space<hbm>>
    tpu.wait_indirect_dma semaphore(%arg12 : memref<!tpu.dma_semaphore, #tpu.memory_space<semaphore_mem>>) src(%dma_wait3A_82 : memref<1000000xf32, #tpu.memory_space<hbm>>) dst(%dma_wait3A_77 : memref<128xf32, #tpu.memory_space<vmem>>)
    %dma_wait3A_83 = arith.constant 1 : i32
    %dma_wait3A_84 = arith.constant 128 : i32
    %dma_wait3A_85 = tpu.memref_slice %arg9[%dma_wait3A_84] : memref<512xf32, #tpu.memory_space<vmem>> -> memref<128xf32, #tpu.memory_space<vmem>>
    %dma_wait3A_86 = arith.constant 0 : i32
    %dma_wait3A_87 = tpu.memref_slice %arg7[%dma_wait3A_83, %dma_wait3A_86] : memref<4x128xi32, #tpu.memory_space<vmem>> -> memref<1x128xi32, #tpu.memory_space<vmem>>
    %dma_wait3A_88 = tpu.memref_squeeze %dma_wait3A_87 : memref<1x128xi32, #tpu.memory_space<vmem>> -> memref<128xi32, #tpu.memory_space<vmem>>
    %dma_wait3A_89 = arith.constant 0 : i32
    %dma_wait3A_90 = tpu.memref_slice %arg4[%dma_wait3A_89] : memref<1000000xf32, #tpu.memory_space<hbm>> -> memref<1000000xf32, #tpu.memory_space<hbm>>
    tpu.wait_indirect_dma semaphore(%arg12 : memref<!tpu.dma_semaphore, #tpu.memory_space<semaphore_mem>>) src(%dma_wait3A_90 : memref<1000000xf32, #tpu.memory_space<hbm>>) dst(%dma_wait3A_85 : memref<128xf32, #tpu.memory_space<vmem>>)
    %dma_wait3A_91 = arith.constant 1 : i32
    %dma_wait3A_92 = arith.constant 128 : i32
    %dma_wait3A_93 = tpu.memref_slice %arg10[%dma_wait3A_92] : memref<512xf32, #tpu.memory_space<vmem>> -> memref<128xf32, #tpu.memory_space<vmem>>
    %dma_wait3A_94 = arith.constant 0 : i32
    %dma_wait3A_95 = tpu.memref_slice %arg8[%dma_wait3A_91, %dma_wait3A_94] : memref<4x128xi32, #tpu.memory_space<vmem>> -> memref<1x128xi32, #tpu.memory_space<vmem>>
    %dma_wait3A_96 = tpu.memref_squeeze %dma_wait3A_95 : memref<1x128xi32, #tpu.memory_space<vmem>> -> memref<128xi32, #tpu.memory_space<vmem>>
    %dma_wait3A_97 = arith.constant 0 : i32
    %dma_wait3A_98 = tpu.memref_slice %arg5[%dma_wait3A_97] : memref<1000000xf32, #tpu.memory_space<hbm>> -> memref<1000000xf32, #tpu.memory_space<hbm>>
    tpu.wait_indirect_dma semaphore(%arg12 : memref<!tpu.dma_semaphore, #tpu.memory_space<semaphore_mem>>) src(%dma_wait3A_98 : memref<1000000xf32, #tpu.memory_space<hbm>>) dst(%dma_wait3A_93 : memref<128xf32, #tpu.memory_space<vmem>>)
    %dma_wait3A_99 = arith.constant 2 : i32
    %dma_wait3A_100 = arith.constant 256 : i32
    %dma_wait3A_101 = tpu.memref_slice %arg9[%dma_wait3A_100] : memref<512xf32, #tpu.memory_space<vmem>> -> memref<128xf32, #tpu.memory_space<vmem>>
    %dma_wait3A_102 = arith.constant 0 : i32
    %dma_wait3A_103 = tpu.memref_slice %arg7[%dma_wait3A_99, %dma_wait3A_102] : memref<4x128xi32, #tpu.memory_space<vmem>> -> memref<1x128xi32, #tpu.memory_space<vmem>>
    %dma_wait3A_104 = tpu.memref_squeeze %dma_wait3A_103 : memref<1x128xi32, #tpu.memory_space<vmem>> -> memref<128xi32, #tpu.memory_space<vmem>>
    %dma_wait3A_105 = arith.constant 0 : i32
    %dma_wait3A_106 = tpu.memref_slice %arg4[%dma_wait3A_105] : memref<1000000xf32, #tpu.memory_space<hbm>> -> memref<1000000xf32, #tpu.memory_space<hbm>>
    tpu.wait_indirect_dma semaphore(%arg12 : memref<!tpu.dma_semaphore, #tpu.memory_space<semaphore_mem>>) src(%dma_wait3A_106 : memref<1000000xf32, #tpu.memory_space<hbm>>) dst(%dma_wait3A_101 : memref<128xf32, #tpu.memory_space<vmem>>)
    %dma_wait3A_107 = arith.constant 2 : i32
    %dma_wait3A_108 = arith.constant 256 : i32
    %dma_wait3A_109 = tpu.memref_slice %arg10[%dma_wait3A_108] : memref<512xf32, #tpu.memory_space<vmem>> -> memref<128xf32, #tpu.memory_space<vmem>>
    %dma_wait3A_110 = arith.constant 0 : i32
    %dma_wait3A_111 = tpu.memref_slice %arg8[%dma_wait3A_107, %dma_wait3A_110] : memref<4x128xi32, #tpu.memory_space<vmem>> -> memref<1x128xi32, #tpu.memory_space<vmem>>
    %dma_wait3A_112 = tpu.memref_squeeze %dma_wait3A_111 : memref<1x128xi32, #tpu.memory_space<vmem>> -> memref<128xi32, #tpu.memory_space<vmem>>
    %dma_wait3A_113 = arith.constant 0 : i32
    %dma_wait3A_114 = tpu.memref_slice %arg5[%dma_wait3A_113] : memref<1000000xf32, #tpu.memory_space<hbm>> -> memref<1000000xf32, #tpu.memory_space<hbm>>
    tpu.wait_indirect_dma semaphore(%arg12 : memref<!tpu.dma_semaphore, #tpu.memory_space<semaphore_mem>>) src(%dma_wait3A_114 : memref<1000000xf32, #tpu.memory_space<hbm>>) dst(%dma_wait3A_109 : memref<128xf32, #tpu.memory_space<vmem>>)
    %dma_wait3A_115 = arith.constant 3 : i32
    %dma_wait3A_116 = arith.constant 384 : i32
    %dma_wait3A_117 = tpu.memref_slice %arg9[%dma_wait3A_116] : memref<512xf32, #tpu.memory_space<vmem>> -> memref<128xf32, #tpu.memory_space<vmem>>
    %dma_wait3A_118 = arith.constant 0 : i32
    %dma_wait3A_119 = tpu.memref_slice %arg7[%dma_wait3A_115, %dma_wait3A_118] : memref<4x128xi32, #tpu.memory_space<vmem>> -> memref<1x128xi32, #tpu.memory_space<vmem>>
    %dma_wait3A_120 = tpu.memref_squeeze %dma_wait3A_119 : memref<1x128xi32, #tpu.memory_space<vmem>> -> memref<128xi32, #tpu.memory_space<vmem>>
    %dma_wait3A_121 = arith.constant 0 : i32
    %dma_wait3A_122 = tpu.memref_slice %arg4[%dma_wait3A_121] : memref<1000000xf32, #tpu.memory_space<hbm>> -> memref<1000000xf32, #tpu.memory_space<hbm>>
    tpu.wait_indirect_dma semaphore(%arg12 : memref<!tpu.dma_semaphore, #tpu.memory_space<semaphore_mem>>) src(%dma_wait3A_122 : memref<1000000xf32, #tpu.memory_space<hbm>>) dst(%dma_wait3A_117 : memref<128xf32, #tpu.memory_space<vmem>>)
    %dma_wait3A_123 = arith.constant 3 : i32
    %dma_wait3A_124 = arith.constant 384 : i32
    %dma_wait3A_125 = tpu.memref_slice %arg10[%dma_wait3A_124] : memref<512xf32, #tpu.memory_space<vmem>> -> memref<128xf32, #tpu.memory_space<vmem>>
    %dma_wait3A_126 = arith.constant 0 : i32
    %dma_wait3A_127 = tpu.memref_slice %arg8[%dma_wait3A_123, %dma_wait3A_126] : memref<4x128xi32, #tpu.memory_space<vmem>> -> memref<1x128xi32, #tpu.memory_space<vmem>>
    %dma_wait3A_128 = tpu.memref_squeeze %dma_wait3A_127 : memref<1x128xi32, #tpu.memory_space<vmem>> -> memref<128xi32, #tpu.memory_space<vmem>>
    %dma_wait3A_129 = arith.constant 0 : i32
    %dma_wait3A_130 = tpu.memref_slice %arg5[%dma_wait3A_129] : memref<1000000xf32, #tpu.memory_space<hbm>> -> memref<1000000xf32, #tpu.memory_space<hbm>>
    tpu.wait_indirect_dma semaphore(%arg12 : memref<!tpu.dma_semaphore, #tpu.memory_space<semaphore_mem>>) src(%dma_wait3A_130 : memref<1000000xf32, #tpu.memory_space<hbm>>) dst(%dma_wait3A_125 : memref<128xf32, #tpu.memory_space<vmem>>)
    %scan3A = arith.constant 0 : i32
    %scan3A_131 = arith.constant 0 : i32
    %scan3A_132 = arith.constant 32 : i32
    %scan3A_133 = arith.addi %scan3A_131, %scan3A_132 : i32
    %scan3A_134 = arith.constant 1 : i32
    scf.for %scan3A_136 = %scan3A_131 to %scan3A_133 step %scan3A_134  : i32 {
      %mul3A_137 = arith.constant 16 : i32
      %mul3A_138 = arith.muli %scan3A_136, %mul3A_137 : i32
      %multiple_of3A = tpu.assume_multiple %mul3A_138, 16 : i32
      %get3A = arith.index_cast %multiple_of3A : i32 to index
      %get3A_139 = tpu.vector_load %arg9[%get3A] {strides = array<i32>} : memref<512xf32, #tpu.memory_space<vmem>>, vector<16xf32>,
      %get3A_140 = arith.index_cast %multiple_of3A : i32 to index
      %get3A_141 = tpu.vector_load %arg10[%get3A_140] {strides = array<i32>} : memref<512xf32, #tpu.memory_space<vmem>>, vector<16xf32>,
      %add3A_142 = arith.addf %get3A_139, %get3A_141 : vector<16xf32>
      %swap3A = arith.index_cast %multiple_of3A : i32 to index
      %swap3A_143 = tpu.vector_load %arg11[%swap3A] {strides = array<i32>} : memref<512xf32, #tpu.memory_space<vmem>>, vector<16xf32>,
      tpu.vector_store %arg11[%swap3A], %add3A_142 {strides = array<i32>} : memref<512xf32, #tpu.memory_space<vmem>>, vector<16xf32>,
    }
    %scan3A_135 = arith.constant 32 : i32
    "tpu.region"() ({
      %run_scoped3A = tpu.sem_alloc : memref<!tpu.dma_semaphore, #tpu.memory_space<semaphore_mem>>
      %dma_start3A_136 = tpu.memref_slice %arg6[%mul3A_2] : memref<16384xf32, #tpu.memory_space<hbm>> -> memref<512xf32, #tpu.memory_space<hbm>>
      %dma_start3A_137 = tpu.memref_slice %arg6[%mul3A_2] : memref<16384xf32, #tpu.memory_space<hbm>> -> memref<512xf32, #tpu.memory_space<hbm>>
      tpu.enqueue_dma source(%arg11 : memref<512xf32, #tpu.memory_space<vmem>>) target(%dma_start3A_137 : memref<512xf32, #tpu.memory_space<hbm>>) target_semaphore(%run_scoped3A : memref<!tpu.dma_semaphore, #tpu.memory_space<semaphore_mem>>)
      %dma_wait3A_138 = tpu.memref_slice %arg6[%mul3A_2] : memref<16384xf32, #tpu.memory_space<hbm>> -> memref<512xf32, #tpu.memory_space<hbm>>
      %dma_wait3A_139 = tpu.memref_slice %arg6[%mul3A_2] : memref<16384xf32, #tpu.memory_space<hbm>> -> memref<512xf32, #tpu.memory_space<hbm>>
      tpu.wait_dma2 semaphore(%run_scoped3A : memref<!tpu.dma_semaphore, #tpu.memory_space<semaphore_mem>>) src(%arg11 : memref<512xf32, #tpu.memory_space<vmem>>) dst(%dma_wait3A_139 : memref<512xf32, #tpu.memory_space<hbm>>)
      tpu.yield
    }) : () -> ()
    return
  }
}

module attributes {stable_mosaic.version = 14 : i64} {
  func.func @_dots_body(%arg0: i32, %arg1: memref<64x16384xf32, #tpu.memory_space<vmem>>, %arg2: memref<64x16384xf32, #tpu.memory_space<vmem>>, %arg3: memref<64x1xf32, #tpu.memory_space<vmem>>, %arg4: memref<1x1xf32, #tpu.memory_space<vmem>>, %arg5: memref<16384xf32, #tpu.memory_space<vmem>>) attributes {dimension_semantics = [#tpu.dimension_semantics<arbitrary>], iteration_bounds = array<i64: 1>, scalar_prefetch = 0 : i64, scratch_operands = 0 : i64, tpu.core_type = #tpu.core_type<tc>, window_params = [{transform_indices = @transform_0, window_bounds = array<i64: 64, 16384>}, {transform_indices = @transform_1, window_bounds = array<i64: 64, 16384>}, {pipeline_mode = #tpu.pipeline_mode<synchronous>, transform_indices = @transform_2, window_bounds = array<i64: 64, 1>}, {pipeline_mode = #tpu.pipeline_mode<synchronous>, transform_indices = @transform_3, window_bounds = array<i64: 1, 1>}, {transform_indices = @transform_4, window_bounds = array<i64: 16384>}]} {
    %get3A = arith.constant 0 : index
    %get3A_0 = arith.constant 0 : index
    %get3A_1 = vector.load %arg1[%get3A, %get3A_0] : memref<64x16384xf32, #tpu.memory_space<vmem>>, vector<64x16384xf32>
    %get3A_2 = arith.constant 0 : index
    %get3A_3 = arith.constant 0 : index
    %get3A_4 = vector.load %arg2[%get3A_2, %get3A_3] : memref<64x16384xf32, #tpu.memory_space<vmem>>, vector<64x16384xf32>
    %mul3A = arith.mulf %get3A_1, %get3A_4 : vector<64x16384xf32>
    %get3A_5 = arith.constant 0 : index
    %get3A_6 = arith.constant 0 : index
    %get3A_7 = vector.load %arg3[%get3A_5, %get3A_6] : memref<64x1xf32, #tpu.memory_space<vmem>>, vector<64x1xf32>
    %mul3A_8 = vector.broadcast %get3A_7 : vector<64x1xf32> to vector<64x16384xf32>
    %mul3A_9 = arith.mulf %mul3A, %mul3A_8 : vector<64x16384xf32>
    %reduce_sum3A = arith.constant dense<0.000000e+00> : vector<16384xf32>
    %reduce_sum3A_10 = vector.multi_reduction <add>, %mul3A_9, %reduce_sum3A [0] : vector<64x16384xf32> to vector<16384xf32>
    %get3A_11 = arith.constant 0 : index
    %get3A_12 = arith.constant 0 : index
    %get3A_13 = vector.load %arg4[%get3A_11, %get3A_12] : memref<1x1xf32, #tpu.memory_space<vmem>>, vector<1x1xf32>
    %get3A_14 = vector.extract %get3A_13[0, 0] : f32 from vector<1x1xf32>
    %add3A = vector.broadcast %get3A_14 : f32 to vector<16384xf32>
    %add3A_15 = arith.addf %reduce_sum3A_10, %add3A : vector<16384xf32>
    %swap3A = arith.constant 0 : index
    %swap3A_16 = vector.load %arg5[%swap3A] : memref<16384xf32, #tpu.memory_space<vmem>>, vector<16384xf32>
    tpu.vector_store %arg5[%swap3A], %add3A_15 {strides = array<i32>} : memref<16384xf32, #tpu.memory_space<vmem>>, vector<16384xf32>,
    return
  }
  func.func @transform_0(%arg0: i32) -> (i32, i32) {
    %c0_i32 = arith.constant 0 : i32
    %c0_i32_0 = arith.constant 0 : i32
    return %c0_i32, %arg0 : i32, i32
  }
  func.func @transform_1(%arg0: i32) -> (i32, i32) {
    %c0_i32 = arith.constant 0 : i32
    %c0_i32_0 = arith.constant 0 : i32
    return %c0_i32, %arg0 : i32, i32
  }
  func.func @transform_2(%arg0: i32) -> (i32, i32) {
    %c0_i32 = arith.constant 0 : i32
    %c0_i32_0 = arith.constant 0 : i32
    %c0_i32_1 = arith.constant 0 : i32
    return %c0_i32, %c0_i32_0 : i32, i32
  }
  func.func @transform_3(%arg0: i32) -> (i32, i32) {
    %c0_i32 = arith.constant 0 : i32
    %c0_i32_0 = arith.constant 0 : i32
    %c0_i32_1 = arith.constant 0 : i32
    return %c0_i32, %c0_i32_0 : i32, i32
  }
  func.func @transform_4(%arg0: i32) -> i32 {
    %c0_i32 = arith.constant 0 : i32
    return %arg0 : i32
  }
}

</mosaic_0001>

<sc_bundles>
// kernel: kernel.4.cloned.1.call-start
scs
__scs_entry_jumppad:
0x0: {  	(pc) =	sbr.rel $0x88, $3  }
0x1: {  	(tag) =	ssettag $0x0;
	lr =	simm.s32 $0x1  }
0x2: {  	[smem:$0x3F99] =	sst lr;
	_ =	strace $0xD0000000  }
0x3: {  	_ = 	snop  }
0x4: {  	_ = 	snop  }
0x5: {  	_ = 	snop  }
0x6: {  	_ = 	snop  }
0x7: {  	_ = 	snop  }
__scs_overlays_trampoline_lowered:
0x8: {  	[smem:$0x3FA8] =	sst s0  }
0x9: {  	[smem:$0x3FA9] =	sst s1  }
0xa: {  	[smem:$0x3FAA] =	sst s2  }
0xb: {  	[smem:$0x3FAB] =	sst s3  }
0xc: {  	[smem:$0x3FAC] =	sst s4  }
0xd: {  	[smem:$0x3FAD] =	sst s5  }
0xe: {  	[smem:$0x3FAE] =	sst s6  }
0xf: {  	[smem:$0x3FAF] =	sst s7  }
0x10: {  	[smem:$0x3FB0] =	sst s8  }
0x11: {  	[smem:$0x3FB1] =	sst s9;
	s0 =	simm.s32 @!p0 $0x0  }
0x12: {  	s1 =	sld [smem:$0x3F97];
	s0 =	simm.s32 @p0 $0x1  }
0x13: {  	[smem:$0x3FB2] =	sst s0;
	s0 =	simm.s32 @!p1 $0x0  }
0x14: {  	s2 =	sld [smem:$0x3F96];
	s0 =	simm.s32 @p1 $0x1  }
0x15: {  	[smem:$0x3FB3] =	sst s0;
	s0 =	simm.s32 @!p2 $0x0  }
0x16: {  	s3 =	sld [smem:$0x3FDB];
	s0 =	simm.s32 @p2 $0x1  }
0x17: {  	s4 =	simm.s32 $0x1BF5;
	[smem:$0x3FB5] =	sst s0  }
0x18: {  	s0 =	sld [smem:$0x3F98];
	_ =	swait.ge [sflag:s4], $0x0  }
0x19: {  	s7 =	sld [smem:$0x3F99]  }
0x1a: {  	s8 =	sadd.s32 $0xFFFFE003, lr  }
0x1b: {  	s9 =	sadd.s32 $0xFFFFFEF7, lr;
	s5 =	simm.s32 $0xFFFFFFFF;
	p2 =	slt.u32 s8, $0xFFFFF086  }
0x1c: {  	p1 =	slt.u32 s9, $0xF7A;
	s5 =	simm.s32 @!p2 $0x0  }
0x1d: {  	s5 =	simm.s32 @p1 $0x1;
	p0 =	seq.s32 s7, s2  }
0x1e: {  	s7 =	smul.u32 @!p0 $0xF7A, s2;
	p2 =	seq.s32 @!p0 s5, $0x0  }
0x1f: {  	s9 =	smul.u32 $0xF7A, s1;
	s8 =	simm.s32 @!p0 $0x1BF5;
	p2 =	por !p2, p0  }
0x20: {  	[sflag:s8] =	ssyncset.s32 @!p0 $0xFFFFF086;
	s6 =	sadd.s32 @!p0 s3, s7;
	s7 =	simm.s32 @!p0 $0x108  }
0x21: {  	s3 =	sadd.s32 s3, s9;
	s6 =	sadd.s32 @!p0 $0x88, s6;
	s7 =	simm.s32 @p2 $0x1082  }
0x22: {  	[simem:s7], [sflag:s8] =	dma.local @!p0 [hbm:s6], $0xF7A  }
0x23: {  	s9 =	sor.u32 $0xD0000000, s2;
	s6 =	simm.s32 $0x108;
	_ =	swait.ge @!p0 [sflag:s8], $0x0  }
0x24: {  	s3 =	sadd.s32 $0x88, s3;
	s6 =	simm.s32 @!p1 $0x1082;
	[sflag:s4] =	ssyncset.s32 $0xFFFFF086  }
0x25: {  	[simem:s6], [sflag:s4] =	dma.local [hbm:s3], $0xF7A  }
0x26: {  	[smem:$0x3F99] =	sst s1;
	(tag) =	ssettag s2;
	_ =	strace s9  }
0x27: {  	s1 =	sld [smem:$0x3FA9]  }
0x28: {  	s2 =	sld [smem:$0x3FAA]  }
0x29: {  	s4 =	sld [smem:$0x3FAC]  }
0x2a: {  	p0 =	seq.s32 s5, $0x0;
	s5 =	sld [smem:$0x3FAD]  }
0x2b: {  	s6 =	sld [smem:$0x3FAE]  }
0x2c: {  	s7 =	sld [smem:$0x3FAF]  }
0x2d: {  	s3 =	simm.s32 $0x108;
	s8 =	sld [smem:$0x3FB0]  }
0x2e: {  	s3 =	simm.s32 @!p0 $0x1082;
	s9 =	sld [smem:$0x3FB1]  }
0x2f: {  	lr =	sadd.s32 s0, s3;
	s0 =	sld [smem:$0x3FA8]  }
0x30: {  	s3 =	sld [smem:$0x3FAB]  }
0x31: {  	[smem:$0x3FB4] =	sst s10  }
0x32: {  	s10 =	sld [smem:$0x3FB2];
	_ =	sdelay $0x3  }
0x33: {  	p0 =	seq.s32 s10, $0x1;
	s10 =	sld [smem:$0x3FB4];
	_ =	sdelay $0x3  }
0x34: {  	[smem:$0x3FB4] =	sst s10  }
0x35: {  	s10 =	sld [smem:$0x3FB3];
	_ =	sdelay $0x3  }
0x36: {  	p1 =	seq.s32 s10, $0x1;
	s10 =	sld [smem:$0x3FB4];
	_ =	sdelay $0x3  }
0x37: {  	[smem:$0x3FB4] =	sst s10  }
0x38: {  	s10 =	sld [smem:$0x3FB5]  }
0x39: {  	_ = 	snop;
	(pc) =	sbr.ind lr, $3  }
0x3a: {  	_ = 	snop  }
0x3b: {  	_ = 	snop  }
0x3c: {  	p2 =	seq.s32 s10, $0x1;
	s10 =	sld [smem:$0x3FB4]  }
0x3d: {  	_ =	shalt  }
0x3e: {  	_ =	shalt  }
0x3f: {  	_ =	shalt  }
0x40: {  	_ =	shalt  }
0x41: {  	_ =	shalt  }
0x42: {  	_ =	shalt  }
0x43: {  	_ =	shalt  }
0x44: {  	_ =	shalt  }
0x45: {  	_ =	shalt  }
0x46: {  	_ =	shalt  }
0x47: {  	_ =	shalt  }
0x48: {  	_ =	shalt  }
0x49: {  	_ =	shalt  }
0x4a: {  	_ =	shalt  }
0x4b: {  	_ =	shalt  }
0x4c: {  	_ =	shalt  }
0x4d: {  	_ =	shalt  }
0x4e: {  	_ =	shalt  }
0x4f: {  	_ =	shalt  }
0x50: {  	_ =	shalt  }
0x51: {  	_ =	shalt  }
0x52: {  	_ =	shalt  }
0x53: {  	_ =	shalt  }
0x54: {  	_ =	shalt  }
0x55: {  	_ =	shalt  }
0x56: {  	_ =	shalt  }
0x57: {  	_ =	shalt  }
0x58: {  	_ =	shalt  }
0x59: {  	_ =	shalt  }
0x5a: {  	_ =	shalt  }
0x5b: {  	_ =	shalt  }
0x5c: {  	_ =	shalt  }
0x5d: {  	_ =	shalt  }
0x5e: {  	_ =	shalt  }
0x5f: {  	_ =	shalt  }
0x60: {  	_ =	shalt  }
0x61: {  	_ =	shalt  }
0x62: {  	_ =	shalt  }
0x63: {  	_ =	shalt  }
0x64: {  	_ =	shalt  }
0x65: {  	_ =	shalt  }
0x66: {  	_ =	shalt  }
0x67: {  	_ =	shalt  }
0x68: {  	_ =	shalt  }
0x69: {  	_ =	shalt  }
0x6a: {  	_ =	shalt  }
0x6b: {  	_ =	shalt  }
0x6c: {  	_ =	shalt  }
0x6d: {  	_ =	shalt  }
0x6e: {  	_ =	shalt  }
0x6f: {  	_ =	shalt  }
0x70: {  	_ =	shalt  }
0x71: {  	_ =	shalt  }
0x72: {  	_ =	shalt  }
0x73: {  	_ =	shalt  }
0x74: {  	_ =	shalt  }
0x75: {  	_ =	shalt  }
0x76: {  	_ =	shalt  }
0x77: {  	_ =	shalt  }
0x78: {  	_ =	shalt  }
0x79: {  	_ =	shalt  }
0x7a: {  	_ =	shalt  }
0x7b: {  	_ =	shalt  }
0x7c: {  	_ =	shalt  }
0x7d: {  	_ =	shalt  }
0x7e: {  	_ =	shalt  }
0x7f: {  	_ =	shalt  }
0x80: {  	_ =	shalt  }
0x81: {  	_ =	shalt  }
0x82: {  	_ =	shalt  }
0x83: {  	_ =	shalt  }
0x84: {  	_ =	shalt  }
0x85: {  	_ =	shalt  }
0x86: {  	_ =	shalt  }
0x87: {  	_ =	shalt  }
.Lfunc_end0:
.L_simem_size_0:
called_computation_lowered:
.L_overlay_start_0:
0x88: {  	s2 =	sld [smem:$0x3FD9]  }
0x89: {  	s3 =	sld [smem:$0x3FFE];
	_ =	sdelay $0x1  }
0x8a: {  	s1 =	srdreg.scid  }
0x8b: {  	s0 =	sand.u32 $0x1, s1  }
0x8c: {  	s18 =	sshll.u32 s0, $0xA;
	s2 =	sadd.s32 s3, s2  }
0x8d: {  	s2 =	sadd.s32 s2, s18  }
0x8e: {  	[smem:$0x3FC0] =	sst s2  }
0x8f: {  	_ = 	snop  }
0x90: {  	s2 =	sld [smem:$0x3FC8]  }
0x91: {  	s19 =	sld [smem:$0x3FC6]  }
0x92: {  	s4 =	sld [smem:$0x3FC3]  }
0x93: {  	s5 =	sld [smem:$0x3FC2]  }
0x94: {  	s6 =	sld [smem:$0x3FD0];
	(tm) =	ssettm $0x1  }
0x95: {  	s7 =	sld [smem:$0x3FFB];
	_ =	sdelay $0x3  }
0x96: {  	_ =	strace s7  }
0x97: {  	s7 =	sld [smem:$0x3FFC];
	_ =	sdelay $0x3  }
0x98: {  	_ =	strace s7  }
0x99: {  	s7 =	sld [smem:$0x3FFD];
	_ =	sdelay $0x3  }
0x9a: {  	_ =	strace s7  }
0x9b: {  	_ =	strace $0x8FFFFFFF  }
0x9c: {  	s20 =	sld [smem:$0x3FDB];
	_ =	sdelay $0x1  }
0x9d: {  	s8 =	simm.s32 $_scs_section_size  }
0x9e: {  	s9 =	simm.s32 $_size__tile_overlayer_lowered;
	s10 =	simm.s32 $_tile_overlayer_lowered  }
0x9f: {  	s23 =	simm.s32 $0x1BFF;
	s22 =	sshll.u32 s10, $0x1;
	s7 =	sadd.s32 s8, s20  }
0xa0: {  	s11 =	simm.s32 $0x0;
	s21 =	sshll.u32 s9, $0x1;
	s9 =	sadd.s32 s22, s7  }
0xa1: {  	[timem:s11], [sflag:s23] =	dma.local [hbm:s9], s21  }
0xa2: {  	_ =	swait.ge [sflag:s23], s21  }
0xa3: {  	s8 =	ssub.s32 $0x0, s21;
	[sflag:s23] =	ssyncset.done $0x0  }
0xa4: {  	[sflag:s23] =	ssyncadd.s32 s8;
	_ =	sdelay $0x1  }
0xa5: {  	s24 =	simm.s32 $0x1B8B  }
0xa6: {  	_ =	swait.ge [sflag:s24], $0x1  }
0xa7: {  	[sflag:s24] =	ssyncset.done $0x0  }
0xa8: {  	s25 =	simm.s32 $0x1B8E;
	[sflag:s24] =	ssyncadd.s32 $0xFFFFFFFF  }
0xa9: {  	s26 =	simm.s32 $execute0_lowered;
	[smem:$0x3FD2] =	sst s25  }
0xaa: {  	s8 =	sshll.u32 s26, $0x1;
	_ =	strace $0x80000046;
	[dreg:$0x1] =	wrdreg $0xFFFFFFFF  }
0xab: {  	s28 =	simm.s32 $_size_execute0_lowered;
	s7 =	sadd.s32 s7, s8;
	[dreg:$0x0] =	wrdreg $0x0  }
0xac: {  	s8 =	sshll.u32 s28, $0x1;
	[dreg:$0x2] =	wrdreg s7  }
0xad: {  	[dreg:$0x3] =	wrdreg s8  }
0xae: {  	[dreg:$0x4] =	wrdreg $0xC0  }
0xaf: {  	_ =	task [dreg:s11], $0x5FFFF  }
0xb0: {  	[dreg:$0x1] =	wrdreg $0xFFFFFFFF  }
0xb1: {  	[dreg:$0x0] =	wrdreg $0x60  }
0xb2: {  	[dreg:$0x2] =	wrdreg s2  }
0xb3: {  	[dreg:$0x3] =	wrdreg s19  }
0xb4: {  	[dreg:$0x4] =	wrdreg s4  }
0xb5: {  	[dreg:$0x5] =	wrdreg s5  }
0xb6: {  	[dreg:$0x6] =	wrdreg s6  }
0xb7: {  	[dreg:$0x7] =	wrdreg $0x9  }
0xb8: {  	_ =	task.clear_ibuf [dreg:s11], $0x8FFFF;
	_ =	strace $0x90000046  }
0xb9: {  	s29 =	simm.s32 $0x9;
	_ =	strace $0x80000048  }
0xba: {  	_ =	swait.ge [sflag:s29], $0x1  }
0xbb: {  	[sflag:s29] =	ssyncadd.s32 $0xFFFFFFFF  }
0xbc: {  	_ =	strace $0x90000048  }
0xbd: {  	_ =	sfence  }
0xbe: {  	s30 =	sld [smem:$0x0];
	_ =	sdelay $0x2  }
0xbf: {  	s31 =	sshll.u32 s1, $0xD;
	s1 =	sshrl.u32 s1, $0x2  }
0xc0: {  	s3 =	sand.u32 $0x4000, s31;
	s1 =	sadd.s32 s1, s30  }
0xc1: {  	s0 =	sor.u32 s3, s0;
	s1 =	sshll.u32 s1, $0x11  }
0xc2: {  	s0 =	sor.u32 s1, s0  }
0xc3: {  	s0 =	sadd.s32 $0x8F2B, s0  }
0xc4: {  	[sflag:s0] =	ssyncadd.remote.s32 $0x1  }
0xc5: {  	_ =	sfence.sel $0xFFFF  }
0xc6: {  	[dreg:$0x0] =	wrdreg $0xFFFFFFFF;
	(pc) =	sbr.abs _section_cstart, $3  }
0xc7: {  	[dreg:$0x1] =	wrdreg $0xFFFFFFFF  }
0xc8: {  	_ =	task.clear_ibuf [dreg:s11], $0x2FFFF;
	_ =	strace $0x9FFFFFFF  }
0xc9: {  	(tm) =	ssettm $0x7FFFFFFF  }
tec
execute0_lowered:
.L_overlay_start_1:
0x0: {  	(tag) =	ssettag $0x1  }
0x1: {  	s5 =	rddreg [dreg:$0x0]  }
0x2: {  	s6 =	rddreg [dreg:$0x1]  }
0x3: {  	s1 =	rddreg [dreg:$0x2]  }
0x4: {  	s2 =	rddreg [dreg:$0x3]  }
0x5: {  	s7 =	rddreg [dreg:$0x4];
	s3 =	srdreg.scid  }
0x6: {  	s0 =	rddreg [dreg:$0x5];
	s4 =	simm.s32 $0x0;
	s12 =	simm.s32 $0x400  }
0x7: {  	s13 =	simm.s32 $0x600;
	s14 =	simm.s32 $0x480;
	s15 =	simm.s32 $0x280  }
0x8: {  	s16 =	simm.s32 $0x680;
	s17 =	simm.s32 $0x100;
	s18 =	simm.s32 $0x500  }
0x9: {  	s19 =	simm.s32 $0x300;
	s20 =	simm.s32 $0x700;
	s21 =	simm.s32 $0x180  }
0xa: {  	s22 =	simm.s32 $0x580;
	s23 =	simm.s32 $0x380;
	s24 =	simm.s32 $0x780  }
0xb: {  	s25 =	simm.s32 $0x1;
	s26 =	simm.s32 $0x800;
	s28 =	simm.s32 $0x0  }
0xc: {  	s8 =	sand.u32 $0x1, s3;
	[smem:$0x7FF] =	sst s4;
	s3 =	stileid.u32  }
0xd: {  	s9 =	ssub.s32 $0x2, s8;
	s11 =	sshll.u32 s3, $0x7;
	s8 =	sshll.u32 s8, $0x6  }
0xe: {  	_ =	strace $0x80000047;
	s10 =	sshrl.u32 s9, $0x1;
	s31 =	sor.u32 s8, s11  }
0xf: {  	s7 =	sadd.s32 s7, s8;
	s9 =	ssub.s32 s9, s10;
	s5 =	sadd.s32 s5, s31  }
0x10: {  	s6 =	sadd.s32 s6, s31;
	s7 =	sadd.s32 s11, s7;
	s10 =	simm.s32 $0x200  }
0x11: {  	s11 =	simm.s32 $0x80;
	s8 =	smax.u32 s9, $0x1;
	s9 =	simm.s32 $0x2  }
.LBB2_1:
0x12: {  	[tilespmem:s4], [sflag:$0x2] =	stream.linear.gather [hbm4b:s5+s4], $0x200, $0x38;
	[tilespmem:$0xA00] =	vst v63  }
0x13: {  	_ =	swait.ge [sflag:s9], $0x200  }
0x14: {  	[sflag:s9] =	ssyncset.done $0x0  }
0x15: {  	[sflag:s9] =	ssyncadd.s32 $0xFFFFFE00  }
0x16: {  	[tilespmem:s10], [sflag:$0x2] =	stream.linear.gather [hbm4b:s6+s4], $0x200, $0x38;
	[tilespmem:$0xA00] =	vst v63  }
0x17: {  	_ =	swait.ge [sflag:s9], $0x200  }
0x18: {  	[sflag:s9] =	ssyncset.done $0x0  }
0x19: {  	[sflag:s9] =	ssyncadd.s32 $0xFFFFFE00  }
0x1a: {  	[tilespmem:s12], [sflag:$0x1] =	stream.indirect.gather [hbm4b:s1+s11], $0x1, s4, s11, $0xb8;
	[tilespmem:$0xA00] =	vst v63  }
0x1b: {  	_ = 	snop  }
0x1c: {  	[tilespmem:s13], [sflag:$0x1] =	stream.indirect.gather [hbm4b:s2+s11], $0x1, s10, s11, $0xb8;
	[tilespmem:$0xA00] =	vst v63  }
0x1d: {  	_ = 	snop  }
0x1e: {  	[tilespmem:s14], [sflag:$0x1] =	stream.indirect.gather [hbm4b:s1+s11], $0x1, s11, s11, $0xb8;
	[tilespmem:$0xA00] =	vst v63  }
0x1f: {  	_ = 	snop  }
0x20: {  	[tilespmem:s16], [sflag:$0x1] =	stream.indirect.gather [hbm4b:s2+s11], $0x1, s15, s11, $0xb8;
	[tilespmem:$0xA00] =	vst v63  }
0x21: {  	_ = 	snop  }
0x22: {  	[tilespmem:s18], [sflag:$0x1] =	stream.indirect.gather [hbm4b:s1+s11], $0x1, s17, s11, $0xb8;
	[tilespmem:$0xA00] =	vst v63  }
0x23: {  	_ = 	snop  }
0x24: {  	[tilespmem:s20], [sflag:$0x1] =	stream.indirect.gather [hbm4b:s2+s11], $0x1, s19, s11, $0xb8;
	[tilespmem:$0xA00] =	vst v63  }
0x25: {  	_ = 	snop  }
0x26: {  	[tilespmem:s22], [sflag:$0x1] =	stream.indirect.gather [hbm4b:s1+s11], $0x1, s21, s11, $0xb8;
	[tilespmem:$0xA00] =	vst v63  }
0x27: {  	_ = 	snop  }
0x28: {  	[tilespmem:s24], [sflag:$0x1] =	stream.indirect.gather [hbm4b:s2+s11], $0x1, s23, s11, $0xb8;
	[tilespmem:$0xA00] =	vst v63  }
0x29: {  	_ =	swait.ge [sflag:s25], $0x80  }
0x2a: {  	[sflag:s25] =	ssyncset.done $0x0  }
0x2b: {  	[sflag:s25] =	ssyncadd.s32 $0xFFFFFF80  }
0x2c: {  	_ =	swait.ge [sflag:s25], $0x80  }
0x2d: {  	[sflag:s25] =	ssyncset.done $0x0  }
0x2e: {  	[sflag:s25] =	ssyncadd.s32 $0xFFFFFF80  }
0x2f: {  	_ =	swait.ge [sflag:s25], $0x80  }
0x30: {  	[sflag:s25] =	ssyncset.done $0x0  }
0x31: {  	[sflag:s25] =	ssyncadd.s32 $0xFFFFFF80  }
0x32: {  	_ =	swait.ge [sflag:s25], $0x80  }
0x33: {  	[sflag:s25] =	ssyncset.done $0x0  }
0x34: {  	[sflag:s25] =	ssyncadd.s32 $0xFFFFFF80  }
0x35: {  	_ =	swait.ge [sflag:s25], $0x80  }
0x36: {  	[sflag:s25] =	ssyncset.done $0x0  }
0x37: {  	[sflag:s25] =	ssyncadd.s32 $0xFFFFFF80  }
0x38: {  	_ =	swait.ge [sflag:s25], $0x80  }
0x39: {  	[sflag:s25] =	ssyncset.done $0x0  }
0x3a: {  	[sflag:s25] =	ssyncadd.s32 $0xFFFFFF80  }
0x3b: {  	_ =	swait.ge [sflag:s25], $0x80  }
0x3c: {  	[sflag:s25] =	ssyncset.done $0x0  }
0x3d: {  	[sflag:s25] =	ssyncadd.s32 $0xFFFFFF80  }
0x3e: {  	_ =	swait.ge [sflag:s25], $0x80  }
0x3f: {  	[sflag:s25] =	ssyncset.done $0x0  }
0x40: {  	s29 =	simm.s32 $0x0;
	[sflag:s25] =	ssyncadd.s32 $0xFFFFFF80  }
0x41: {  	v0 =	vld [tilespmem:s29+$0x400]  }
0x42: {  	s30 =	simm.s32 $0x40;
	v1 =	vld [tilespmem:s29+$0x600]  }
.LBB2_2:
0x43: {  	_ = 	snop  }
0x44: {  	p0 =	sne.s32 s30, $0x7C0  }
.Ltmp0:
0x45: {  	_ = 	snop;
	(pc) =	sbr.rel @p0 .LBB2_2-.Ltmp0, $4  }
0x46: {  	_ = 	snop  }
0x47: {  	s31 =	sshra.s32 s30, $0x2;
	v2 =	vadd.f32 v1, v0  }
0x48: {  	v0 =	vld [tilespmem:s31+$0x400]  }
0x49: {  	s30 =	sadd.s32 $0x40, s30;
	v1 =	vld [tilespmem:s31+$0x600];
	[tilespmem:s29+$0x800] =	vst v2;
	s29 =	smov.u32 s31  }
0x4a: {  	_ =	sdelay $0x3  }
0x4b: {  	s28 =	sadd.s32 $0x1, s28;
	v0 =	vadd.f32 v1, v0  }
0x4c: {  	p0 =	sne.s32 s28, s8  }
.Ltmp1:
0x4d: {  	[tilespmem:s29+$0x800] =	vst v0;
	(pc) =	sbr.rel @p0 .LBB2_1-.Ltmp1, $4  }
0x4e: {  	[hbm4b:s7+s4] =	stream.linear.scatter [tilespmem:s26], [sflag:$0x2], $0x200, $0x38;
	[tilespmem:$0xA00] =	vst v63  }
0x4f: {  	_ =	swait.ge [sflag:s9], $0x200  }
0x50: {  	[sflag:s9] =	ssyncset.done $0x0  }
0x51: {  	[sflag:s9] =	ssyncadd.s32 $0xFFFFFE00  }
0x52: {  	_ =	sfence.sel $0x180000  }
0x53: {  	[bflag:$0x0] =	sbarrier.arrive $0xFFFF  }
0x54: {  	p0 =	sne.s32 s3, $0x0;
	_ =	strace $0x90000047  }
0x55: {  	s0 =	sadd.s32 @!p0 $0x100000, s0;
	[bflag:$0x2] =	sbarrier.arrive $0xFFFF  }
0x56: {  	[sflag:s0] =	ssyncadd.tile.s32 @!p0 $0x1;
	_ =	shalt  }
.Lfunc_end2:
_tile_overlayer_lowered:
.L_overlay_start_2:
0x57: {  	(tag) =	ssettag $0x2  }
0x58: {  	s0 =	rddreg [dreg:$0x0];
	s2 =	stileid.u32  }
0x59: {  	s1 =	rddreg [dreg:$0x1];
	p0 =	sne.s32 s2, $0x0  }
0x5a: {  	s3 =	rddreg [dreg:$0x2];
	[bflag:$0x3] =	sbarrier.arrive $0xFFFF;
	s2 =	simm.s32 @!p0 $0x1C02  }
0x5b: {  	[timem:s3], [sflag:s2] =	dma.local @!p0 [hbm:s0], s1  }
0x5c: {  	s0 =	simm.s32 @!p0 $0x2  }
0x5d: {  	_ =	swait.ge @!p0 [sflag:s0], s1  }
0x5e: {  	s1 =	ssub.s32 @!p0 $0x0, s1;
	[sflag:s0] =	ssyncset.done @!p0 $0x0  }
0x5f: {  	[sflag:s0] =	ssyncadd.s32 @!p0 s1  }
0x60: {  	[bflag:$0x3] =	sbarrier.arrive $0xFFFF  }
0x61: {  	_ =	shalt  }

</sc_bundles>
